<compile_context>
chip_gen: v7x
topology: tpu7x:2x2x1
jax: 0.10.2.dev20260603
libtpu: 0.0.44.dev20260713+nightly
codegen_flags: <defaults>
</compile_context>

<pallas_src>
import math

import jax
import jax.numpy as jnp
from jax.experimental import pallas as pl
from jax.experimental.pallas import tpu as pltpu

N_HEADS = 16
N_KV_HEADS = 4
HEAD_SIZE = 128
MAX_SEQLEN = 2048
SPARSE_BLOCK = 64
VLLM_BLOCK = 16
LOCAL_BLOCKS = 8
VERT_STRIDE = 4
NUM_SEQS = 32
BLOCKS_PER_SEQ = MAX_SEQLEN // VLLM_BLOCK
NUM_SPARSE_BLOCKS = MAX_SEQLEN // SPARSE_BLOCK
VPB = SPARSE_BLOCK // VLLM_BLOCK
MAX_SLOTS = 14
NUM_VB = MAX_SLOTS * VPB
T_PACK = MAX_SLOTS * SPARSE_BLOCK
NUM_CACHE_ROWS = NUM_SEQS * BLOCKS_PER_SEQ * N_KV_HEADS
SM_SCALE = 1.0 / math.sqrt(HEAD_SIZE)
NEG_INF = -1e30


def _attn_body(q_ref, k_ref, v_ref, b_ref, o_ref):
    q4 = q_ref[0].reshape(N_KV_HEADS, N_HEADS // N_KV_HEADS, HEAD_SIZE)
    kc = k_ref[0]
    vc = v_ref[0]
    bias = b_ref[0]

    sc = jax.lax.dot_general(
        q4, kc,
        dimension_numbers=(((2,), (2,)), ((0,), (0,))),
        preferred_element_type=jnp.float32,
    ).reshape(N_HEADS, T_PACK) * SM_SCALE + bias

    m = jnp.max(sc, axis=-1, keepdims=True)
    p = jnp.exp(sc - m)
    l = jnp.sum(p, axis=-1, keepdims=True)

    pv = jax.lax.dot_general(
        p.reshape(N_KV_HEADS, N_HEADS // N_KV_HEADS, T_PACK), vc,
        dimension_numbers=(((2,), (1,)), ((0,), (0,))),
        preferred_element_type=jnp.float32,
    ).reshape(N_HEADS, HEAD_SIZE)
    o_ref[0] = pv / l


def _routing(block_tables, context_lens):
    ctx = context_lens.astype(jnp.int32)
    qblk = (ctx - 1) // SPARSE_BLOCK
    j = jnp.arange(NUM_SPARSE_BLOCKS, dtype=jnp.int32)
    vis = (j[None, :] <= qblk[:, None]) & (
        (qblk[:, None] - j[None, :] < LOCAL_BLOCKS)
        | ((j[None, :] + 1) % VERT_STRIDE == 0))
    key = jnp.where(vis, j[None, :], jnp.int32(10_000))
    packed = jnp.sort(key, axis=1)[:, :MAX_SLOTS]
    counts = jnp.sum(vis.astype(jnp.int32), axis=1)
    slot = jnp.arange(MAX_SLOTS, dtype=jnp.int32)
    valid = slot[None, :] < counts[:, None]
    visj = jnp.where(valid, packed, qblk[:, None])
    lim = jnp.where(
        valid,
        jnp.clip(ctx[:, None] - SPARSE_BLOCK * visj, 0, SPARSE_BLOCK),
        0).astype(jnp.int32)

    vb = (VPB * visj[:, :, None]
          + jnp.arange(VPB, dtype=jnp.int32)[None, None, :]).reshape(
              NUM_SEQS, NUM_VB)
    cb = jnp.take_along_axis(block_tables, vb, axis=1)

    t_in = jnp.arange(SPARSE_BLOCK, dtype=jnp.int32)
    bias = jnp.where(t_in[None, None, :] < lim[:, :, None], 0.0,
                     NEG_INF).reshape(NUM_SEQS, 1, T_PACK).astype(jnp.float32)
    return cb, bias


@jax.jit
def kernel(q, k, v, block_tables, context_lens):
    cb, bias = _routing(block_tables, context_lens)

    g_off = jnp.arange(N_KV_HEADS, dtype=jnp.int32)
    cb2 = (N_KV_HEADS * cb[:, None, :]
           + g_off[None, :, None]).reshape(-1)

    def compact(x):
        x2 = x.reshape(NUM_CACHE_ROWS, HEAD_SIZE, VLLM_BLOCK)
        g = jnp.take(x2, cb2, axis=0)
        g = g.reshape(NUM_SEQS, N_KV_HEADS, NUM_VB, HEAD_SIZE, VLLM_BLOCK)
        g = jnp.swapaxes(g, -1, -2)
        return g.reshape(NUM_SEQS, N_KV_HEADS, T_PACK, HEAD_SIZE)

    kc = compact(k)
    vc = compact(v)

    grid_spec = pl.GridSpec(
        grid=(NUM_SEQS,),
        in_specs=[
            pl.BlockSpec((1, N_HEADS, HEAD_SIZE), lambda s: (s, 0, 0)),
            pl.BlockSpec((1, N_KV_HEADS, T_PACK, HEAD_SIZE),
                         lambda s: (s, 0, 0, 0)),
            pl.BlockSpec((1, N_KV_HEADS, T_PACK, HEAD_SIZE),
                         lambda s: (s, 0, 0, 0)),
            pl.BlockSpec((1, 1, T_PACK), lambda s: (s, 0, 0)),
        ],
        out_specs=pl.BlockSpec((1, N_HEADS, HEAD_SIZE), lambda s: (s, 0, 0)),
    )

    out = pl.pallas_call(
        _attn_body,
        grid_spec=grid_spec,
        out_shape=jax.ShapeDtypeStruct((NUM_SEQS, N_HEADS, HEAD_SIZE),
                                       jnp.float32),
        compiler_params=pltpu.CompilerParams(
            dimension_semantics=("arbitrary",)),
    )(q, kc, vc, bias)
    return out

# --- scband reference (transcript-rebuilt; emitter-appended) ---
"""Pipeline reference for scband-local-strided-block-sparse-paged-attn-13443247636953 (READ-ONLY COPY).

The authoritative reference and input builder live on the scoring server;
editing this copy changes nothing except your own understanding.
"""

import jax, jax.numpy as jnp
import numpy as np
import math

N_HEADS = 16
N_KV_HEADS = 4
HEAD_SIZE = 128
MAX_SEQLEN = 2048
SPARSE_BLOCK = 64
VLLM_BLOCK = 16
LOCAL_BLOCKS = 8
VERT_STRIDE = 4
NUM_SEQS = 32
BLOCKS_PER_SEQ = MAX_SEQLEN // VLLM_BLOCK
NUM_CACHE_BLOCKS = NUM_SEQS * BLOCKS_PER_SEQ


def setup_inputs(seed: int = 0):
    key = jax.random.key(seed)
    k1, k2, k3, k4 = jax.random.split(key, 4)
    q = jax.random.normal(k1, (NUM_SEQS, N_HEADS, HEAD_SIZE), dtype=jnp.float32)
    k = jax.random.normal(k2, (NUM_CACHE_BLOCKS, N_KV_HEADS, HEAD_SIZE, VLLM_BLOCK), dtype=jnp.float32)
    v = jax.random.normal(k3, (NUM_CACHE_BLOCKS, N_KV_HEADS, HEAD_SIZE, VLLM_BLOCK), dtype=jnp.float32)
    block_tables = jnp.arange(NUM_SEQS * BLOCKS_PER_SEQ, dtype=jnp.int32).reshape(NUM_SEQS, BLOCKS_PER_SEQ)
    context_lens = jax.random.randint(k4, (NUM_SEQS,), 1, MAX_SEQLEN + 1, dtype=jnp.int32)
    return {"q": q, "k": k, "v": v, "block_tables": block_tables, "context_lens": context_lens}


def reference(q, k, v, block_tables, context_lens):
    sm_scale = 1.0 / math.sqrt(HEAD_SIZE)
    kv_scale = 1.0
    r = N_HEADS // N_KV_HEADS
    # Gather paged KV cache per sequence: [B, BPS, Hkv, D, bs]
    kb = jnp.take(k, block_tables, axis=0)
    vb = jnp.take(v, block_tables, axis=0)
    # -> [B, Hkv, S, D]
    kb = jnp.transpose(kb, (0, 2, 1, 4, 3)).reshape(NUM_SEQS, N_KV_HEADS, MAX_SEQLEN, HEAD_SIZE) * kv_scale
    vb = jnp.transpose(vb, (0, 2, 1, 4, 3)).reshape(NUM_SEQS, N_KV_HEADS, MAX_SEQLEN, HEAD_SIZE) * kv_scale
    # Expand grouped KV heads to query heads
    kq = jnp.repeat(kb, r, axis=1)
    vq = jnp.repeat(vb, r, axis=1)
    scores = jnp.einsum('bhd,bhtd->bht', q, kq) * sm_scale
    t = jnp.arange(MAX_SEQLEN)
    kblk = t // SPARSE_BLOCK
    qblk = (context_lens - 1) // SPARSE_BLOCK
    # local-strided block sparse mask (homo_head): local window OR vertical stride, causal
    local = (qblk[:, None] - kblk[None, :]) < LOCAL_BLOCKS
    strided = ((kblk + 1) % VERT_STRIDE) == 0
    causal = t[None, :] < context_lens[:, None]
    mask = causal & (local | strided[None, :])
    scores = jnp.where(mask[:, None, :], scores, -jnp.inf)
    probs = jax.nn.softmax(scores, axis=-1)
    out = jnp.einsum('bht,bhtd->bhd', probs, vq)
    return out

if __name__ == "__main__":
    import jax
    _d = setup_inputs()
    print(jax.jit(kernel)(*tuple(_d.values())))

</pallas_src>

<mosaic_0001>
module attributes {stable_mosaic.version = 14 : i64} {
  func.func @_attn_body(%arg0: i32, %arg1: memref<1x16x128xf32, #tpu.memory_space<vmem>>, %arg2: memref<1x4x896x128xf32, #tpu.memory_space<vmem>>, %arg3: memref<1x4x896x128xf32, #tpu.memory_space<vmem>>, %arg4: memref<1x1x896xf32, #tpu.memory_space<vmem>>, %arg5: memref<1x16x128xf32, #tpu.memory_space<vmem>>) attributes {dimension_semantics = [#tpu.dimension_semantics<arbitrary>], iteration_bounds = array<i64: 32>, scalar_prefetch = 0 : i64, scratch_operands = 0 : i64, tpu.core_type = #tpu.core_type<tc>, window_params = [{transform_indices = @transform_0, window_bounds = array<i64: 1, 16, 128>}, {transform_indices = @transform_1, window_bounds = array<i64: 1, 4, 896, 128>}, {transform_indices = @transform_2, window_bounds = array<i64: 1, 4, 896, 128>}, {transform_indices = @transform_3, window_bounds = array<i64: 1, 1, 896>}, {transform_indices = @transform_4, window_bounds = array<i64: 1, 16, 128>}]} {
    %get3A = arith.constant 0 : index
    %get3A_0 = arith.constant 0 : index
    %get3A_1 = arith.constant 0 : index
    %get3A_2 = vector.load %arg1[%get3A, %get3A_0, %get3A_1] : memref<1x16x128xf32, #tpu.memory_space<vmem>>, vector<1x16x128xf32>
    %get3A_3 = vector.shape_cast %get3A_2 : vector<1x16x128xf32> to vector<16x128xf32>
    %reshape3A = vector.shape_cast %get3A_3 : vector<16x128xf32> to vector<4x4x128xf32>
    %get3A_4 = arith.constant 0 : index
    %get3A_5 = arith.constant 0 : index
    %get3A_6 = arith.constant 0 : index
    %get3A_7 = arith.constant 0 : index
    %get3A_8 = vector.load %arg2[%get3A_4, %get3A_5, %get3A_6, %get3A_7] : memref<1x4x896x128xf32, #tpu.memory_space<vmem>>, vector<1x4x896x128xf32>
    %get3A_9 = vector.shape_cast %get3A_8 : vector<1x4x896x128xf32> to vector<4x896x128xf32>
    %get3A_10 = arith.constant 0 : index
    %get3A_11 = arith.constant 0 : index
    %get3A_12 = arith.constant 0 : index
    %get3A_13 = arith.constant 0 : index
    %get3A_14 = vector.load %arg3[%get3A_10, %get3A_11, %get3A_12, %get3A_13] : memref<1x4x896x128xf32, #tpu.memory_space<vmem>>, vector<1x4x896x128xf32>
    %get3A_15 = vector.shape_cast %get3A_14 : vector<1x4x896x128xf32> to vector<4x896x128xf32>
    %get3A_16 = arith.constant 0 : index
    %get3A_17 = arith.constant 0 : index
    %get3A_18 = arith.constant 0 : index
    %get3A_19 = vector.load %arg4[%get3A_16, %get3A_17, %get3A_18] : memref<1x1x896xf32, #tpu.memory_space<vmem>>, vector<1x1x896xf32>
    %get3A_20 = vector.shape_cast %get3A_19 : vector<1x1x896xf32> to vector<1x896xf32>
    %dot_general3A = arith.constant dense<0.000000e+00> : vector<4x4x896xf32>
    %dot_general3A_21 = tpu.matmul %reshape3A, %get3A_9, %dot_general3A {dimension_numbers = #tpu.dot_dimension_numbers<[2], [2], [1], [1], [0, 0, 0, 1, 1, 1], [0], [0]>, transpose_lhs_hint = false} : vector<4x4x128xf32>, vector<4x896x128xf32>, vector<4x4x896xf32> -> vector<4x4x896xf32>
    %reshape3A_22 = vector.shape_cast %dot_general3A_21 : vector<4x4x896xf32> to vector<16x896xf32>
    %mul3A = arith.constant 0.0883883461 : f32
    %mul3A_23 = vector.broadcast %mul3A : f32 to vector<16x896xf32>
    %mul3A_24 = arith.mulf %reshape3A_22, %mul3A_23 : vector<16x896xf32>
    %add3A = vector.broadcast %get3A_20 : vector<1x896xf32> to vector<16x896xf32>
    %add3A_25 = arith.addf %mul3A_24, %add3A : vector<16x896xf32>
    %reduce_max3A = arith.constant dense<0xFF800000> : vector<16xf32>
    %reduce_max3A_26 = vector.multi_reduction <maximumf>, %add3A_25, %reduce_max3A [1] : vector<16x896xf32> to vector<16xf32>
    %broadcast_in_dim3A = vector.shape_cast %reduce_max3A_26 : vector<16xf32> to vector<16x1xf32>
    %sub3A = vector.broadcast %broadcast_in_dim3A : vector<16x1xf32> to vector<16x896xf32>
    %sub3A_27 = arith.subf %add3A_25, %sub3A : vector<16x896xf32>
    %exp3A = math.exp %sub3A_27 : vector<16x896xf32>
    %reduce_sum3A = arith.constant dense<0.000000e+00> : vector<16xf32>
    %reduce_sum3A_28 = vector.multi_reduction <add>, %exp3A, %reduce_sum3A [1] : vector<16x896xf32> to vector<16xf32>
    %broadcast_in_dim3A_29 = vector.shape_cast %reduce_sum3A_28 : vector<16xf32> to vector<16x1xf32>
    %reshape3A_30 = vector.shape_cast %exp3A : vector<16x896xf32> to vector<4x4x896xf32>
    %dot_general3A_31 = arith.constant dense<0.000000e+00> : vector<4x4x128xf32>
    %dot_general3A_32 = tpu.matmul %reshape3A_30, %get3A_15, %dot_general3A_31 {dimension_numbers = #tpu.dot_dimension_numbers<[2], [1], [1], [2], [0, 0, 0, 1, 1, 2], [0], [0]>, transpose_lhs_hint = false} : vector<4x4x896xf32>, vector<4x896x128xf32>, vector<4x4x128xf32> -> vector<4x4x128xf32>
    %reshape3A_33 = vector.shape_cast %dot_general3A_32 : vector<4x4x128xf32> to vector<16x128xf32>
    %div3A = vector.broadcast %broadcast_in_dim3A_29 : vector<16x1xf32> to vector<16x128xf32>
    %div3A_34 = arith.divf %reshape3A_33, %div3A : vector<16x128xf32>
    %swap3A = arith.constant 0 : index
    %swap3A_35 = arith.constant 0 : index
    %swap3A_36 = arith.constant 0 : index
    %swap3A_37 = vector.load %arg5[%swap3A, %swap3A_35, %swap3A_36] : memref<1x16x128xf32, #tpu.memory_space<vmem>>, vector<1x16x128xf32>
    %swap3A_38 = vector.shape_cast %swap3A_37 : vector<1x16x128xf32> to vector<16x128xf32>
    %swap3A_39 = vector.shape_cast %div3A_34 : vector<16x128xf32> to vector<1x16x128xf32>
    tpu.vector_store %arg5[%swap3A, %swap3A_35, %swap3A_36], %swap3A_39 {strides = array<i32>} : memref<1x16x128xf32, #tpu.memory_space<vmem>>, vector<1x16x128xf32>,
    return
  }
  func.func @transform_0(%arg0: i32) -> (i32, i32, i32) {
    %c0_i32 = arith.constant 0 : i32
    %c0_i32_0 = arith.constant 0 : i32
    %c0_i32_1 = arith.constant 0 : i32
    return %arg0, %c0_i32, %c0_i32_0 : i32, i32, i32
  }
  func.func @transform_1(%arg0: i32) -> (i32, i32, i32, i32) {
    %c0_i32 = arith.constant 0 : i32
    %c0_i32_0 = arith.constant 0 : i32
    %c0_i32_1 = arith.constant 0 : i32
    %c0_i32_2 = arith.constant 0 : i32
    return %arg0, %c0_i32, %c0_i32_0, %c0_i32_1 : i32, i32, i32, i32
  }
  func.func @transform_2(%arg0: i32) -> (i32, i32, i32, i32) {
    %c0_i32 = arith.constant 0 : i32
    %c0_i32_0 = arith.constant 0 : i32
    %c0_i32_1 = arith.constant 0 : i32
    %c0_i32_2 = arith.constant 0 : i32
    return %arg0, %c0_i32, %c0_i32_0, %c0_i32_1 : i32, i32, i32, i32
  }
  func.func @transform_3(%arg0: i32) -> (i32, i32, i32) {
    %c0_i32 = arith.constant 0 : i32
    %c0_i32_0 = arith.constant 0 : i32
    %c0_i32_1 = arith.constant 0 : i32
    return %arg0, %c0_i32, %c0_i32_0 : i32, i32, i32
  }
  func.func @transform_4(%arg0: i32) -> (i32, i32, i32) {
    %c0_i32 = arith.constant 0 : i32
    %c0_i32_0 = arith.constant 0 : i32
    %c0_i32_1 = arith.constant 0 : i32
    return %arg0, %c0_i32, %c0_i32_0 : i32, i32, i32
  }
}

</mosaic_0001>

<sc_bundles>
// kernel: gather_offload_async_start.1
scs
__scs_entry_jumppad:
0x0: {  	(pc) =	sbr.rel $0x88, $3  }
0x1: {  	(tag) =	ssettag $0x0;
	lr =	simm.s32 $0x1  }
0x2: {  	[smem:$0x3F9C] =	sst lr;
	_ =	strace $0xD0000000  }
0x3: {  	_ = 	snop  }
0x4: {  	_ = 	snop  }
0x5: {  	_ = 	snop  }
0x6: {  	_ = 	snop  }
0x7: {  	_ = 	snop  }
__scs_overlays_trampoline_lowered:
0x8: {  	[smem:$0x3FAB] =	sst s0  }
0x9: {  	[smem:$0x3FAC] =	sst s1  }
0xa: {  	[smem:$0x3FAD] =	sst s2  }
0xb: {  	[smem:$0x3FAE] =	sst s3  }
0xc: {  	[smem:$0x3FAF] =	sst s4  }
0xd: {  	[smem:$0x3FB0] =	sst s5  }
0xe: {  	[smem:$0x3FB1] =	sst s6  }
0xf: {  	[smem:$0x3FB2] =	sst s7  }
0x10: {  	[smem:$0x3FB3] =	sst s8  }
0x11: {  	[smem:$0x3FB4] =	sst s9;
	s0 =	simm.s32 @!p0 $0x0  }
0x12: {  	s1 =	sld [smem:$0x3F9A];
	s0 =	simm.s32 @p0 $0x1  }
0x13: {  	[smem:$0x3FB5] =	sst s0;
	s0 =	simm.s32 @!p1 $0x0  }
0x14: {  	s2 =	sld [smem:$0x3F99];
	s0 =	simm.s32 @p1 $0x1  }
0x15: {  	[smem:$0x3FB6] =	sst s0;
	s0 =	simm.s32 @!p2 $0x0  }
0x16: {  	s3 =	sld [smem:$0x3FDB];
	s0 =	simm.s32 @p2 $0x1  }
0x17: {  	s4 =	simm.s32 $0x1BF5;
	[smem:$0x3FB8] =	sst s0  }
0x18: {  	s0 =	sld [smem:$0x3F9B];
	_ =	swait.ge [sflag:s4], $0x0  }
0x19: {  	s7 =	sld [smem:$0x3F9C]  }
0x1a: {  	s8 =	sadd.s32 $0xFFFFE003, lr  }
0x1b: {  	s9 =	sadd.s32 $0xFFFFFEF7, lr;
	s5 =	simm.s32 $0xFFFFFFFF;
	p2 =	slt.u32 s8, $0xFFFFF086  }
0x1c: {  	p1 =	slt.u32 s9, $0xF7A;
	s5 =	simm.s32 @!p2 $0x0  }
0x1d: {  	s5 =	simm.s32 @p1 $0x1;
	p0 =	seq.s32 s7, s2  }
0x1e: {  	s7 =	smul.u32 @!p0 $0xF7A, s2;
	p2 =	seq.s32 @!p0 s5, $0x0  }
0x1f: {  	s9 =	smul.u32 $0xF7A, s1;
	s8 =	simm.s32 @!p0 $0x1BF5;
	p2 =	por !p2, p0  }
0x20: {  	[sflag:s8] =	ssyncset.s32 @!p0 $0xFFFFF086;
	s6 =	sadd.s32 @!p0 s3, s7;
	s7 =	simm.s32 @!p0 $0x108  }
0x21: {  	s3 =	sadd.s32 s3, s9;
	s6 =	sadd.s32 @!p0 $0x88, s6;
	s7 =	simm.s32 @p2 $0x1082  }
0x22: {  	[simem:s7], [sflag:s8] =	dma.local @!p0 [hbm:s6], $0xF7A  }
0x23: {  	s9 =	sor.u32 $0xD0000000, s2;
	s6 =	simm.s32 $0x108;
	_ =	swait.ge @!p0 [sflag:s8], $0x0  }
0x24: {  	s3 =	sadd.s32 $0x88, s3;
	s6 =	simm.s32 @!p1 $0x1082;
	[sflag:s4] =	ssyncset.s32 $0xFFFFF086  }
0x25: {  	[simem:s6], [sflag:s4] =	dma.local [hbm:s3], $0xF7A  }
0x26: {  	[smem:$0x3F9C] =	sst s1;
	(tag) =	ssettag s2;
	_ =	strace s9  }
0x27: {  	s1 =	sld [smem:$0x3FAC]  }
0x28: {  	s2 =	sld [smem:$0x3FAD]  }
0x29: {  	s4 =	sld [smem:$0x3FAF]  }
0x2a: {  	p0 =	seq.s32 s5, $0x0;
	s5 =	sld [smem:$0x3FB0]  }
0x2b: {  	s6 =	sld [smem:$0x3FB1]  }
0x2c: {  	s7 =	sld [smem:$0x3FB2]  }
0x2d: {  	s3 =	simm.s32 $0x108;
	s8 =	sld [smem:$0x3FB3]  }
0x2e: {  	s3 =	simm.s32 @!p0 $0x1082;
	s9 =	sld [smem:$0x3FB4]  }
0x2f: {  	lr =	sadd.s32 s0, s3;
	s0 =	sld [smem:$0x3FAB]  }
0x30: {  	s3 =	sld [smem:$0x3FAE]  }
0x31: {  	[smem:$0x3FB7] =	sst s10  }
0x32: {  	s10 =	sld [smem:$0x3FB5];
	_ =	sdelay $0x3  }
0x33: {  	p0 =	seq.s32 s10, $0x1;
	s10 =	sld [smem:$0x3FB7];
	_ =	sdelay $0x3  }
0x34: {  	[smem:$0x3FB7] =	sst s10  }
0x35: {  	s10 =	sld [smem:$0x3FB6];
	_ =	sdelay $0x3  }
0x36: {  	p1 =	seq.s32 s10, $0x1;
	s10 =	sld [smem:$0x3FB7];
	_ =	sdelay $0x3  }
0x37: {  	[smem:$0x3FB7] =	sst s10  }
0x38: {  	s10 =	sld [smem:$0x3FB8]  }
0x39: {  	_ = 	snop;
	(pc) =	sbr.ind lr, $3  }
0x3a: {  	_ = 	snop  }
0x3b: {  	_ = 	snop  }
0x3c: {  	p2 =	seq.s32 s10, $0x1;
	s10 =	sld [smem:$0x3FB7]  }
0x3d: {  	_ =	shalt  }
0x3e: {  	_ =	shalt  }
0x3f: {  	_ =	shalt  }
0x40: {  	_ =	shalt  }
0x41: {  	_ =	shalt  }
0x42: {  	_ =	shalt  }
0x43: {  	_ =	shalt  }
0x44: {  	_ =	shalt  }
0x45: {  	_ =	shalt  }
0x46: {  	_ =	shalt  }
0x47: {  	_ =	shalt  }
0x48: {  	_ =	shalt  }
0x49: {  	_ =	shalt  }
0x4a: {  	_ =	shalt  }
0x4b: {  	_ =	shalt  }
0x4c: {  	_ =	shalt  }
0x4d: {  	_ =	shalt  }
0x4e: {  	_ =	shalt  }
0x4f: {  	_ =	shalt  }
0x50: {  	_ =	shalt  }
0x51: {  	_ =	shalt  }
0x52: {  	_ =	shalt  }
0x53: {  	_ =	shalt  }
0x54: {  	_ =	shalt  }
0x55: {  	_ =	shalt  }
0x56: {  	_ =	shalt  }
0x57: {  	_ =	shalt  }
0x58: {  	_ =	shalt  }
0x59: {  	_ =	shalt  }
0x5a: {  	_ =	shalt  }
0x5b: {  	_ =	shalt  }
0x5c: {  	_ =	shalt  }
0x5d: {  	_ =	shalt  }
0x5e: {  	_ =	shalt  }
0x5f: {  	_ =	shalt  }
0x60: {  	_ =	shalt  }
0x61: {  	_ =	shalt  }
0x62: {  	_ =	shalt  }
0x63: {  	_ =	shalt  }
0x64: {  	_ =	shalt  }
0x65: {  	_ =	shalt  }
0x66: {  	_ =	shalt  }
0x67: {  	_ =	shalt  }
0x68: {  	_ =	shalt  }
0x69: {  	_ =	shalt  }
0x6a: {  	_ =	shalt  }
0x6b: {  	_ =	shalt  }
0x6c: {  	_ =	shalt  }
0x6d: {  	_ =	shalt  }
0x6e: {  	_ =	shalt  }
0x6f: {  	_ =	shalt  }
0x70: {  	_ =	shalt  }
0x71: {  	_ =	shalt  }
0x72: {  	_ =	shalt  }
0x73: {  	_ =	shalt  }
0x74: {  	_ =	shalt  }
0x75: {  	_ =	shalt  }
0x76: {  	_ =	shalt  }
0x77: {  	_ =	shalt  }
0x78: {  	_ =	shalt  }
0x79: {  	_ =	shalt  }
0x7a: {  	_ =	shalt  }
0x7b: {  	_ =	shalt  }
0x7c: {  	_ =	shalt  }
0x7d: {  	_ =	shalt  }
0x7e: {  	_ =	shalt  }
0x7f: {  	_ =	shalt  }
0x80: {  	_ =	shalt  }
0x81: {  	_ =	shalt  }
0x82: {  	_ =	shalt  }
0x83: {  	_ =	shalt  }
0x84: {  	_ =	shalt  }
0x85: {  	_ =	shalt  }
0x86: {  	_ =	shalt  }
0x87: {  	_ =	shalt  }
.Lfunc_end0:
.L_simem_size_0:
called_computation.1_lowered:
.L_overlay_start_0:
0x88: {  	s2 =	sld [smem:$0x3FD9]  }
0x89: {  	s3 =	sld [smem:$0x3FFE];
	_ =	sdelay $0x1  }
0x8a: {  	s1 =	srdreg.scid  }
0x8b: {  	s0 =	sand.u32 $0x1, s1  }
0x8c: {  	s17 =	sshll.u32 s0, $0xA;
	s2 =	sadd.s32 s3, s2  }
0x8d: {  	s2 =	sadd.s32 s2, s17  }
0x8e: {  	[smem:$0x3FC3] =	sst s2  }
0x8f: {  	_ = 	snop  }
0x90: {  	s2 =	sld [smem:$0x3FC8];
	(tm) =	ssettm $0x1  }
0x91: {  	s18 =	sld [smem:$0x3FFB];
	_ =	sdelay $0x3  }
0x92: {  	_ =	strace s18  }
0x93: {  	s3 =	sld [smem:$0x3FFC];
	_ =	sdelay $0x3  }
0x94: {  	_ =	strace s3  }
0x95: {  	s3 =	sld [smem:$0x3FFD];
	_ =	sdelay $0x3  }
0x96: {  	_ =	strace s3  }
0x97: {  	_ =	strace $0x8FFFFFFF  }
0x98: {  	s19 =	sld [smem:$0x3FDB];
	_ =	sdelay $0x1  }
0x99: {  	s4 =	simm.s32 $_scs_section_size  }
0x9a: {  	s5 =	simm.s32 $_size__tile_overlayer_lowered;
	s6 =	simm.s32 $_tile_overlayer_lowered  }
0x9b: {  	s22 =	simm.s32 $0x1BFF;
	s21 =	sshll.u32 s6, $0x1;
	s3 =	sadd.s32 s4, s19  }
0x9c: {  	s7 =	simm.s32 $0x0;
	s20 =	sshll.u32 s5, $0x1;
	s5 =	sadd.s32 s21, s3  }
0x9d: {  	[timem:s7], [sflag:s22] =	dma.local [hbm:s5], s20  }
0x9e: {  	_ =	swait.ge [sflag:s22], s20  }
0x9f: {  	s4 =	ssub.s32 $0x0, s20;
	[sflag:s22] =	ssyncset.done $0x0  }
0xa0: {  	[sflag:s22] =	ssyncadd.s32 s4;
	_ =	sdelay $0x1  }
0xa1: {  	s23 =	simm.s32 $0x1B8B  }
0xa2: {  	_ =	swait.ge [sflag:s23], $0x1  }
0xa3: {  	[sflag:s23] =	ssyncset.done $0x0  }
0xa4: {  	s25 =	simm.s32 $0x1B8E;
	s24 =	sld [smem:$0x3FFE];
	[sflag:s23] =	ssyncadd.s32 $0xFFFFFFFF  }
0xa5: {  	s26 =	simm.s32 $execute0_lowered;
	[smem:$0x3FD2] =	sst s25  }
0xa6: {  	s5 =	sshll.u32 s26, $0x1;
	_ =	strace $0x80000049;
	[dreg:$0x1] =	wrdreg $0xFFFFFFFF  }
0xa7: {  	s28 =	simm.s32 $_size_execute0_lowered;
	s3 =	sadd.s32 s3, s5;
	[dreg:$0x0] =	wrdreg $0x0  }
0xa8: {  	s5 =	sshll.u32 s28, $0x1;
	[dreg:$0x2] =	wrdreg s3  }
0xa9: {  	[dreg:$0x3] =	wrdreg s5  }
0xaa: {  	[dreg:$0x4] =	wrdreg $0xC0  }
0xab: {  	_ =	task [dreg:s7], $0x5FFFF  }
0xac: {  	[dreg:$0x1] =	wrdreg $0xFFFFFFFF  }
0xad: {  	[dreg:$0x0] =	wrdreg $0x60  }
0xae: {  	[dreg:$0x2] =	wrdreg s2  }
0xaf: {  	[dreg:$0x3] =	wrdreg s24  }
0xb0: {  	[dreg:$0x4] =	wrdreg $0x9  }
0xb1: {  	_ =	task.clear_ibuf [dreg:s7], $0x5FFFF;
	_ =	strace $0x90000049  }
0xb2: {  	s29 =	simm.s32 $0x9;
	_ =	strace $0x8000004B  }
0xb3: {  	_ =	swait.ge [sflag:s29], $0x1  }
0xb4: {  	[sflag:s29] =	ssyncadd.s32 $0xFFFFFFFF  }
0xb5: {  	_ =	strace $0x9000004B  }
0xb6: {  	_ =	sfence  }
0xb7: {  	s30 =	sld [smem:$0x0];
	_ =	sdelay $0x2  }
0xb8: {  	s31 =	sshll.u32 s1, $0xD;
	s1 =	sshrl.u32 s1, $0x2  }
0xb9: {  	s3 =	sand.u32 $0x4000, s31;
	s1 =	sadd.s32 s1, s30  }
0xba: {  	s0 =	sor.u32 s3, s0;
	s1 =	sshll.u32 s1, $0x11  }
0xbb: {  	s0 =	sor.u32 s1, s0  }
0xbc: {  	s0 =	sadd.s32 $0x8F2B, s0  }
0xbd: {  	[sflag:s0] =	ssyncadd.remote.s32 $0x1  }
0xbe: {  	_ =	sfence.sel $0xFFFF  }
0xbf: {  	[dreg:$0x0] =	wrdreg $0xFFFFFFFF;
	(pc) =	sbr.abs _section_cstart, $3  }
0xc0: {  	[dreg:$0x1] =	wrdreg $0xFFFFFFFF  }
0xc1: {  	_ =	task.clear_ibuf [dreg:s7], $0x2FFFF;
	_ =	strace $0x9FFFFFFF  }
0xc2: {  	(tm) =	ssettm $0x7FFFFFFF  }
0xc3: {  	_ =	shalt  }
tec
execute0_lowered:
.L_overlay_start_1:
0x0: {  	(tag) =	ssettag $0x1  }
0x1: {  	s2 =	rddreg [dreg:$0x0]  }
0x2: {  	s0 =	srdreg.scid;
	s7 =	rddreg [dreg:$0x1]  }
0x3: {  	s1 =	stileid.u32;
	s5 =	simm.s32 $0x2;
	s9 =	simm.s32 $0x3  }
0x4: {  	s3 =	sshll.u32 s0, $0x4;
	s0 =	rddreg [dreg:$0x2];
	_ =	strace $0x8000004A  }
.Ltmp0:
0x5: {  	s4 =	sand.u32 $0x10, s3;
	s3 =	simm.s32 $0x1;
	(pc) =	sbr.rel .LBB2_1-.Ltmp0, $4  }
0x6: {  	s11 =	simm.s32 $0x0;
	s4 =	sor.u32 s1, s4;
	[sflag:s3] =	ssyncpa.u1 $0x0  }
0x7: {  	p0 =	por $0x0, $0x0;
	s4 =	smul.u32 $0xE0, s4;
	[sflag:s5] =	ssyncpa.u1 $0x0  }
0x8: {  	s6 =	sadd.s32 $0x400, s7;
	s7 =	sadd.s32 $0xA00, s7;
	[sflag:s9] =	ssyncpa.u1 $0x0  }
0x9: {  	vm0 =	vmmov $0xffff;
	s9 =	simm.s32 $0x0;
	s8 =	sadd.s32 $0xE0, s4;
	s10 =	smov.u32 s4  }
.LBB2_6:
0xa: {  	p1 =	slt.u32 s9, $0x2;
	s11 =	sadd.s32 $0x10, s10  }
0xb: {  	s13 =	smov.u32 s4;
	s9 =	sadd.s32 $0x1, s9;
	p2 =	slt.s32 s11, s8  }
0xc: {  	s13 =	smov.u32 @p2 s11;
	p2 =	sne.s32 s9, $0x10  }
.Ltmp1:
0xd: {  	_ = 	snop;
	(pc) =	sbr.rel @!p2 .LBB2_7-.Ltmp1, $4  }
0xe: {  	s12 =	simm.s32 @!p1 $0x3  }
0xf: {  	_ =	swait.ge @!p1 [sflag:s12], $0x8000  }
0x10: {  	p0 =	por !p0, !p0;
	[sflag:s12] =	ssyncset.done @!p1 $0x0  }
0x11: {  	s11 =	smov.u32 s10;
	s10 =	smov.u32 s13;
	[sflag:s12] =	ssyncadd.s32 @!p1 $0xFFFF8000  }
.LBB2_1:
0x12: {  	p1 =	sgt.u32 s9, $0xD  }
0x13: {  	s12 =	sxor.u32 @!p1 $0xFFFFFFFF, s9  }
0x14: {  	s31 =	sadd.s32 $0xFFFFFFFF, s9;
	s13 =	sshrl.u32 @!p1 s10, $0x3;
	s12 =	sshll.u32 @!p1 s12, $0x4  }
0x15: {  	s14 =	sand.u32 @!p1 $0x7, s10;
	s13 =	sadd.s32 @!p1 s6, s13;
	s12 =	sand.u32 @!p1 $0x10, s12  }
0x16: {  	[tilespmem:s12], [sflag:$0x2] =	stream.linear.gather @!p1 [hbm4b:s13+s14], $0x10, $0x38;
	[tilespmem:$0x10020] =	vst v63  }
0x17: {  	p1 =	sgt.u32 s31, $0xD  }
.Ltmp2:
0x18: {  	_ = 	snop;
	(pc) =	sbr.rel @p1 .LBB2_6-.Ltmp2, $1  }
0x19: {  	_ =	sdelay $0x3  }
0x1a: {  	_ =	swait.ge [sflag:s5], $0x10  }
0x1b: {  	s12 =	sand.u32 $0x1, s9;
	[sflag:s5] =	ssyncset.done $0x0  }
0x1c: {  	s13 =	sshll.u32 s12, $0x4;
	[sflag:s5] =	ssyncadd.s32 $0xFFFFFFF0  }
0x1d: {  	v0 =	vld.msk [tilespmem:s13+$0x0 ss:$0x1], $0xffff;
	_ =	sdelay $0x4  }
0x1e: {  	vm1 =	vgt.s32 v0, $0x0  }
0x1f: {  	v0 =	vnsel vm1, $0x0, v0  }
0x20: {  	v0 =	vmin.u32 v0, $0x3FFF  }
0x21: {  	v0 =	vshll.u32 v0, $0x8;
	_ =	sdelay $0x1  }
0x22: {  	v1 =	vor.u32 $0x80, v0  }
0x23: {  	s12 =	sshll.u32 s12, $0xF  }
0x24: {  	s30 =	sor.u32 $0x20, s12;
	s13 =	simm.s32 $0x1  }
0x25: {  	[tilespmem:s30], [sflag:$0x1] =	stream.indirect_vreg.gather [hbm:s2], $0x400, v0, vm0, $0x38;
	[tilespmem:$0x10020] =	vst v63  }
0x26: {  	s11 =	sshll.u32 s11, $0x8;
	s12 =	sor.u32 $0x4020, s12;
	s13 =	simm.s32 @!p0 $0x0  }
0x27: {  	[tilespmem:s12], [sflag:$0x1] =	stream.indirect_vreg.gather [hbm:s2], $0x400, v1, vm0, $0x38;
	[tilespmem:$0x10020] =	vst v63  }
0x28: {  	p2 =	por $0x1, $0x1;
	s31 =	sshll.u32 s13, $0x11;
	_ =	swait.ge [sflag:s3], $0x8000  }
0x29: {  	s11 =	sadd.s32 s11, s7;
	s12 =	sshrl.u32 s31, $0x2;
	[sflag:s3] =	ssyncset.done $0x0  }
0x2a: {  	s13 =	simm.s32 $0x0;
	s12 =	sadd.s32 $0x20, s12;
	[sflag:s3] =	ssyncadd.s32 $0xFFFF8000  }
.LBB2_3:
0x2b: {  	s14 =	sshll.u32 s13, $0x10  }
0x2c: {  	s15 =	sshll.u32 s13, $0x7;
	s31 =	sshra.s32 s14, $0x2  }
0x2d: {  	p1 =	por p2, p2;
	s14 =	sadd.s32 s15, s11;
	s13 =	sadd.s32 s31, s12  }
0x2e: {  	s15 =	simm.s32 $0x100;
	s17 =	sadd.s32 $0x0, s14;
	s16 =	sadd.s32 $0x400, s13  }
.LBB2_4:
0x2f: {  	[hbm:s17] =	stream.linear.scatter [tilespmem:s13], [sflag:$0x3], $0x400, $0x38;
	[tilespmem:$0x10020] =	vst v63  }
0x30: {  	s17 =	smov.u32 s15;
	s13 =	smov.u32 s16;
	p2 =	sne.s32 s15, $0xF00  }
.Ltmp3:
0x31: {  	s15 =	sadd.s32 $0x100, s15;
	(pc) =	sbr.rel @p2 .LBB2_4-.Ltmp3, $2  }
0x32: {  	_ =	sdelay $0x2  }
0x33: {  	s16 =	sadd.s32 $0x400, s16;
	s17 =	sadd.s32 s17, s14  }
.Ltmp4:
0x34: {  	(pc) =	sbr.rel @p1 .LBB2_3-.Ltmp4, $4  }
.Ltmp5:
0x35: {  	(pc) =	sbr.rel @!p1 .LBB2_6-.Ltmp5, $4  }
0x36: {  	_ = 	snop  }
0x37: {  	[hbm:s17] =	stream.linear.scatter [tilespmem:s13], [sflag:$0x3], $0x400, $0x38;
	[tilespmem:$0x10020] =	vst v63  }
0x38: {  	s13 =	simm.s32 $0x1;
	p2 =	por $0x0, $0x0  }
0x39: {  	_ = 	snop  }
.LBB2_7:
0x3a: {  	_ =	sfence.sel $0x180000  }
0x3b: {  	s2 =	simm.s32 $0x2;
	[bflag:$0x0] =	sbarrier.arrive $0xFFFF  }
0x3c: {  	s30 =	simm.s32 $0x3;
	[sflag:s2] =	ssyncpa.u1 $0x1  }
0x3d: {  	s31 =	simm.s32 $0x1;
	[sflag:s30] =	ssyncpa.u1 $0x1  }
0x3e: {  	[sflag:s31] =	ssyncpa.u1 $0x1  }
0x3f: {  	p0 =	sne.s32 s1, $0x0;
	_ =	strace $0x9000004A  }
0x40: {  	s0 =	sadd.s32 @!p0 $0x100000, s0;
	[bflag:$0x2] =	sbarrier.arrive $0xFFFF  }
0x41: {  	[sflag:s0] =	ssyncadd.tile.s32 @!p0 $0x1;
	_ =	shalt  }
.Lfunc_end2:
_tile_overlayer_lowered:
.L_overlay_start_2:
0x42: {  	(tag) =	ssettag $0x2  }
0x43: {  	s0 =	rddreg [dreg:$0x0];
	s2 =	stileid.u32  }
0x44: {  	s1 =	rddreg [dreg:$0x1];
	p0 =	sne.s32 s2, $0x0  }
0x45: {  	s3 =	rddreg [dreg:$0x2];
	[bflag:$0x3] =	sbarrier.arrive $0xFFFF;
	s2 =	simm.s32 @!p0 $0x1C01  }
0x46: {  	[timem:s3], [sflag:s2] =	dma.local @!p0 [hbm:s0], s1  }
0x47: {  	s0 =	simm.s32 @!p0 $0x1  }
0x48: {  	_ =	swait.ge @!p0 [sflag:s0], s1  }
0x49: {  	s1 =	ssub.s32 @!p0 $0x0, s1;
	[sflag:s0] =	ssyncset.done @!p0 $0x0  }
0x4a: {  	[sflag:s0] =	ssyncadd.s32 @!p0 s1  }
0x4b: {  	[bflag:$0x3] =	sbarrier.arrive $0xFFFF  }
0x4c: {  	_ =	shalt  }

// kernel: gather_offload_async_start.2
scs
__scs_entry_jumppad:
0x0: {  	(pc) =	sbr.rel $0x88, $3  }
0x1: {  	(tag) =	ssettag $0x0;
	lr =	simm.s32 $0x1  }
0x2: {  	[smem:$0x3F9C] =	sst lr;
	_ =	strace $0xD0000000  }
0x3: {  	_ = 	snop  }
0x4: {  	_ = 	snop  }
0x5: {  	_ = 	snop  }
0x6: {  	_ = 	snop  }
0x7: {  	_ = 	snop  }
__scs_overlays_trampoline_lowered:
0x8: {  	[smem:$0x3FAB] =	sst s0  }
0x9: {  	[smem:$0x3FAC] =	sst s1  }
0xa: {  	[smem:$0x3FAD] =	sst s2  }
0xb: {  	[smem:$0x3FAE] =	sst s3  }
0xc: {  	[smem:$0x3FAF] =	sst s4  }
0xd: {  	[smem:$0x3FB0] =	sst s5  }
0xe: {  	[smem:$0x3FB1] =	sst s6  }
0xf: {  	[smem:$0x3FB2] =	sst s7  }
0x10: {  	[smem:$0x3FB3] =	sst s8  }
0x11: {  	[smem:$0x3FB4] =	sst s9;
	s0 =	simm.s32 @!p0 $0x0  }
0x12: {  	s1 =	sld [smem:$0x3F9A];
	s0 =	simm.s32 @p0 $0x1  }
0x13: {  	[smem:$0x3FB5] =	sst s0;
	s0 =	simm.s32 @!p1 $0x0  }
0x14: {  	s2 =	sld [smem:$0x3F99];
	s0 =	simm.s32 @p1 $0x1  }
0x15: {  	[smem:$0x3FB6] =	sst s0;
	s0 =	simm.s32 @!p2 $0x0  }
0x16: {  	s3 =	sld [smem:$0x3FDB];
	s0 =	simm.s32 @p2 $0x1  }
0x17: {  	s4 =	simm.s32 $0x1BF5;
	[smem:$0x3FB8] =	sst s0  }
0x18: {  	s0 =	sld [smem:$0x3F9B];
	_ =	swait.ge [sflag:s4], $0x0  }
0x19: {  	s7 =	sld [smem:$0x3F9C]  }
0x1a: {  	s8 =	sadd.s32 $0xFFFFE003, lr  }
0x1b: {  	s9 =	sadd.s32 $0xFFFFFEF7, lr;
	s5 =	simm.s32 $0xFFFFFFFF;
	p2 =	slt.u32 s8, $0xFFFFF086  }
0x1c: {  	p1 =	slt.u32 s9, $0xF7A;
	s5 =	simm.s32 @!p2 $0x0  }
0x1d: {  	s5 =	simm.s32 @p1 $0x1;
	p0 =	seq.s32 s7, s2  }
0x1e: {  	s7 =	smul.u32 @!p0 $0xF7A, s2;
	p2 =	seq.s32 @!p0 s5, $0x0  }
0x1f: {  	s9 =	smul.u32 $0xF7A, s1;
	s8 =	simm.s32 @!p0 $0x1BF5;
	p2 =	por !p2, p0  }
0x20: {  	[sflag:s8] =	ssyncset.s32 @!p0 $0xFFFFF086;
	s6 =	sadd.s32 @!p0 s3, s7;
	s7 =	simm.s32 @!p0 $0x108  }
0x21: {  	s3 =	sadd.s32 s3, s9;
	s6 =	sadd.s32 @!p0 $0x88, s6;
	s7 =	simm.s32 @p2 $0x1082  }
0x22: {  	[simem:s7], [sflag:s8] =	dma.local @!p0 [hbm:s6], $0xF7A  }
0x23: {  	s9 =	sor.u32 $0xD0000000, s2;
	s6 =	simm.s32 $0x108;
	_ =	swait.ge @!p0 [sflag:s8], $0x0  }
0x24: {  	s3 =	sadd.s32 $0x88, s3;
	s6 =	simm.s32 @!p1 $0x1082;
	[sflag:s4] =	ssyncset.s32 $0xFFFFF086  }
0x25: {  	[simem:s6], [sflag:s4] =	dma.local [hbm:s3], $0xF7A  }
0x26: {  	[smem:$0x3F9C] =	sst s1;
	(tag) =	ssettag s2;
	_ =	strace s9  }
0x27: {  	s1 =	sld [smem:$0x3FAC]  }
0x28: {  	s2 =	sld [smem:$0x3FAD]  }
0x29: {  	s4 =	sld [smem:$0x3FAF]  }
0x2a: {  	p0 =	seq.s32 s5, $0x0;
	s5 =	sld [smem:$0x3FB0]  }
0x2b: {  	s6 =	sld [smem:$0x3FB1]  }
0x2c: {  	s7 =	sld [smem:$0x3FB2]  }
0x2d: {  	s3 =	simm.s32 $0x108;
	s8 =	sld [smem:$0x3FB3]  }
0x2e: {  	s3 =	simm.s32 @!p0 $0x1082;
	s9 =	sld [smem:$0x3FB4]  }
0x2f: {  	lr =	sadd.s32 s0, s3;
	s0 =	sld [smem:$0x3FAB]  }
0x30: {  	s3 =	sld [smem:$0x3FAE]  }
0x31: {  	[smem:$0x3FB7] =	sst s10  }
0x32: {  	s10 =	sld [smem:$0x3FB5];
	_ =	sdelay $0x3  }
0x33: {  	p0 =	seq.s32 s10, $0x1;
	s10 =	sld [smem:$0x3FB7];
	_ =	sdelay $0x3  }
0x34: {  	[smem:$0x3FB7] =	sst s10  }
0x35: {  	s10 =	sld [smem:$0x3FB6];
	_ =	sdelay $0x3  }
0x36: {  	p1 =	seq.s32 s10, $0x1;
	s10 =	sld [smem:$0x3FB7];
	_ =	sdelay $0x3  }
0x37: {  	[smem:$0x3FB7] =	sst s10  }
0x38: {  	s10 =	sld [smem:$0x3FB8]  }
0x39: {  	_ = 	snop;
	(pc) =	sbr.ind lr, $3  }
0x3a: {  	_ = 	snop  }
0x3b: {  	_ = 	snop  }
0x3c: {  	p2 =	seq.s32 s10, $0x1;
	s10 =	sld [smem:$0x3FB7]  }
0x3d: {  	_ =	shalt  }
0x3e: {  	_ =	shalt  }
0x3f: {  	_ =	shalt  }
0x40: {  	_ =	shalt  }
0x41: {  	_ =	shalt  }
0x42: {  	_ =	shalt  }
0x43: {  	_ =	shalt  }
0x44: {  	_ =	shalt  }
0x45: {  	_ =	shalt  }
0x46: {  	_ =	shalt  }
0x47: {  	_ =	shalt  }
0x48: {  	_ =	shalt  }
0x49: {  	_ =	shalt  }
0x4a: {  	_ =	shalt  }
0x4b: {  	_ =	shalt  }
0x4c: {  	_ =	shalt  }
0x4d: {  	_ =	shalt  }
0x4e: {  	_ =	shalt  }
0x4f: {  	_ =	shalt  }
0x50: {  	_ =	shalt  }
0x51: {  	_ =	shalt  }
0x52: {  	_ =	shalt  }
0x53: {  	_ =	shalt  }
0x54: {  	_ =	shalt  }
0x55: {  	_ =	shalt  }
0x56: {  	_ =	shalt  }
0x57: {  	_ =	shalt  }
0x58: {  	_ =	shalt  }
0x59: {  	_ =	shalt  }
0x5a: {  	_ =	shalt  }
0x5b: {  	_ =	shalt  }
0x5c: {  	_ =	shalt  }
0x5d: {  	_ =	shalt  }
0x5e: {  	_ =	shalt  }
0x5f: {  	_ =	shalt  }
0x60: {  	_ =	shalt  }
0x61: {  	_ =	shalt  }
0x62: {  	_ =	shalt  }
0x63: {  	_ =	shalt  }
0x64: {  	_ =	shalt  }
0x65: {  	_ =	shalt  }
0x66: {  	_ =	shalt  }
0x67: {  	_ =	shalt  }
0x68: {  	_ =	shalt  }
0x69: {  	_ =	shalt  }
0x6a: {  	_ =	shalt  }
0x6b: {  	_ =	shalt  }
0x6c: {  	_ =	shalt  }
0x6d: {  	_ =	shalt  }
0x6e: {  	_ =	shalt  }
0x6f: {  	_ =	shalt  }
0x70: {  	_ =	shalt  }
0x71: {  	_ =	shalt  }
0x72: {  	_ =	shalt  }
0x73: {  	_ =	shalt  }
0x74: {  	_ =	shalt  }
0x75: {  	_ =	shalt  }
0x76: {  	_ =	shalt  }
0x77: {  	_ =	shalt  }
0x78: {  	_ =	shalt  }
0x79: {  	_ =	shalt  }
0x7a: {  	_ =	shalt  }
0x7b: {  	_ =	shalt  }
0x7c: {  	_ =	shalt  }
0x7d: {  	_ =	shalt  }
0x7e: {  	_ =	shalt  }
0x7f: {  	_ =	shalt  }
0x80: {  	_ =	shalt  }
0x81: {  	_ =	shalt  }
0x82: {  	_ =	shalt  }
0x83: {  	_ =	shalt  }
0x84: {  	_ =	shalt  }
0x85: {  	_ =	shalt  }
0x86: {  	_ =	shalt  }
0x87: {  	_ =	shalt  }
.Lfunc_end0:
.L_simem_size_0:
called_computation.2_lowered:
.L_overlay_start_0:
0x88: {  	s2 =	sld [smem:$0x3FD9]  }
0x89: {  	s3 =	sld [smem:$0x3FFE];
	_ =	sdelay $0x1  }
0x8a: {  	s1 =	srdreg.scid  }
0x8b: {  	s0 =	sand.u32 $0x1, s1  }
0x8c: {  	s17 =	sshll.u32 s0, $0xA;
	s2 =	sadd.s32 s3, s2  }
0x8d: {  	s2 =	sadd.s32 s2, s17  }
0x8e: {  	[smem:$0x3FC3] =	sst s2  }
0x8f: {  	_ = 	snop  }
0x90: {  	s18 =	sld [smem:$0x3FC7];
	(tm) =	ssettm $0x1  }
0x91: {  	s19 =	sld [smem:$0x3FFB];
	_ =	sdelay $0x3  }
0x92: {  	_ =	strace s19  }
0x93: {  	s2 =	sld [smem:$0x3FFC];
	_ =	sdelay $0x3  }
0x94: {  	_ =	strace s2  }
0x95: {  	s2 =	sld [smem:$0x3FFD];
	_ =	sdelay $0x3  }
0x96: {  	_ =	strace s2  }
0x97: {  	_ =	strace $0x8FFFFFFF  }
0x98: {  	s20 =	sld [smem:$0x3FDB];
	_ =	sdelay $0x1  }
0x99: {  	s4 =	simm.s32 $_scs_section_size  }
0x9a: {  	s5 =	simm.s32 $_size__tile_overlayer_lowered;
	s6 =	simm.s32 $_tile_overlayer_lowered  }
0x9b: {  	s7 =	simm.s32 $0x1BFF;
	s21 =	sshll.u32 s6, $0x1;
	s4 =	sadd.s32 s4, s20  }
0x9c: {  	s22 =	simm.s32 $0x0;
	s5 =	sshll.u32 s5, $0x1;
	s6 =	sadd.s32 s21, s4  }
0x9d: {  	[timem:s22], [sflag:s7] =	dma.local [hbm:s6], s5  }
0x9e: {  	_ =	swait.ge [sflag:s7], s5  }
0x9f: {  	s5 =	ssub.s32 $0x0, s5;
	[sflag:s7] =	ssyncset.done $0x0  }
0xa0: {  	[sflag:s7] =	ssyncadd.s32 s5;
	_ =	sdelay $0x1  }
0xa1: {  	s23 =	simm.s32 $0x1B8B  }
0xa2: {  	_ =	swait.ge [sflag:s23], $0x1  }
0xa3: {  	[sflag:s23] =	ssyncset.done $0x0  }
0xa4: {  	[sflag:s23] =	ssyncadd.s32 $0xFFFFFFFF  }
0xa5: {  	s5 =	sld [smem:$0x0]  }
0xa6: {  	s6 =	sand.u32 $0xFFFFFFFE, s1  }
0xa7: {  	p0 =	sne.s32 s1, s6  }
0xa8: {  	s6 =	sshll.u32 @p0 s6, $0xE  }
0xa9: {  	s6 =	sadd.s32 @p0 $0x11B8D, s6;
	s7 =	sshll.u32 @p0 s5, $0x11  }
0xaa: {  	s6 =	sor.u32 @p0 s7, s6  }
0xab: {  	[sflag:s6] =	ssyncadd.remote.s32 @p0 $0x1;
	_ =	sdelay $0x1  }
0xac: {  	s6 =	simm.s32 @p0 $0x1B8D  }
0xad: {  	_ =	swait.eq @p0 [sflag:s6], $0x1  }
0xae: {  	[sflag:s6] =	ssyncadd.s32 @p0 $0xFFFFFFFF  }
0xaf: {  	s7 =	sshll.u32 @!p0 s1, $0xE  }
0xb0: {  	s7 =	sor.u32 @!p0 $0x4000, s7;
	s6 =	simm.s32 @!p0 $0x1B8D  }
0xb1: {  	s5 =	sshll.u32 @!p0 s5, $0x11;
	s7 =	sadd.s32 @!p0 $0x11B8D, s7;
	_ =	swait.eq @!p0 [sflag:s6], $0x1  }
0xb2: {  	s5 =	sor.u32 @!p0 s5, s7;
	[sflag:s6] =	ssyncadd.s32 @!p0 $0xFFFFFFFF  }
0xb3: {  	s25 =	simm.s32 $0x1B8E;
	s24 =	sld [smem:$0x3FFE];
	[sflag:s5] =	ssyncadd.remote.s32 @!p0 $0x1  }
0xb4: {  	s26 =	simm.s32 $execute0_lowered;
	[smem:$0x3FD2] =	sst s25  }
0xb5: {  	s6 =	sshll.u32 s26, $0x1;
	_ =	strace $0x8000004C;
	[dreg:$0x1] =	wrdreg $0xFFFFFFFF  }
0xb6: {  	s28 =	simm.s32 $_size_execute0_lowered;
	s4 =	sadd.s32 s4, s6;
	[dreg:$0x0] =	wrdreg $0x0  }
0xb7: {  	s6 =	sshll.u32 s28, $0x1;
	[dreg:$0x2] =	wrdreg s4  }
0xb8: {  	[dreg:$0x3] =	wrdreg s6  }
0xb9: {  	[dreg:$0x4] =	wrdreg $0xC0  }
0xba: {  	_ =	task [dreg:s22], $0x5FFFF  }
0xbb: {  	[dreg:$0x1] =	wrdreg $0xFFFFFFFF  }
0xbc: {  	[dreg:$0x0] =	wrdreg $0x60  }
0xbd: {  	[dreg:$0x2] =	wrdreg s18  }
0xbe: {  	[dreg:$0x3] =	wrdreg s24  }
0xbf: {  	[dreg:$0x4] =	wrdreg $0xA  }
0xc0: {  	_ =	task.clear_ibuf [dreg:s22], $0x5FFFF;
	_ =	strace $0x9000004C  }
0xc1: {  	s29 =	simm.s32 $0xA;
	_ =	strace $0x8000004E  }
0xc2: {  	_ =	swait.ge [sflag:s29], $0x1  }
0xc3: {  	[sflag:s29] =	ssyncadd.s32 $0xFFFFFFFF  }
0xc4: {  	_ =	strace $0x9000004E  }
0xc5: {  	_ =	sfence  }
0xc6: {  	s30 =	sld [smem:$0x0];
	_ =	sdelay $0x2  }
0xc7: {  	s31 =	sshll.u32 s1, $0xD;
	s1 =	sshrl.u32 s1, $0x2  }
0xc8: {  	s4 =	sand.u32 $0x4000, s31;
	s1 =	sadd.s32 s1, s30  }
0xc9: {  	s0 =	sor.u32 s4, s0;
	s1 =	sshll.u32 s1, $0x11  }
0xca: {  	s0 =	sor.u32 s1, s0  }
0xcb: {  	s0 =	sadd.s32 $0x8F2B, s0  }
0xcc: {  	[sflag:s0] =	ssyncadd.remote.s32 $0x1  }
0xcd: {  	_ =	sfence.sel $0xFFFF  }
0xce: {  	[dreg:$0x0] =	wrdreg $0xFFFFFFFF;
	(pc) =	sbr.abs _section_cstart, $3  }
0xcf: {  	[dreg:$0x1] =	wrdreg $0xFFFFFFFF  }
0xd0: {  	_ =	task.clear_ibuf [dreg:s22], $0x2FFFF;
	_ =	strace $0x9FFFFFFF  }
0xd1: {  	(tm) =	ssettm $0x7FFFFFFF  }
tec
execute0_lowered:
.L_overlay_start_1:
0x0: {  	(tag) =	ssettag $0x1  }
0x1: {  	s2 =	rddreg [dreg:$0x0]  }
0x2: {  	s0 =	srdreg.scid;
	s7 =	rddreg [dreg:$0x1]  }
0x3: {  	s1 =	stileid.u32;
	s5 =	simm.s32 $0x2;
	s9 =	simm.s32 $0x3  }
0x4: {  	s3 =	sshll.u32 s0, $0x4;
	s0 =	rddreg [dreg:$0x2];
	_ =	strace $0x8000004D  }
.Ltmp0:
0x5: {  	s4 =	sand.u32 $0x10, s3;
	s3 =	simm.s32 $0x1;
	(pc) =	sbr.rel .LBB2_1-.Ltmp0, $4  }
0x6: {  	s11 =	simm.s32 $0x0;
	s4 =	sor.u32 s1, s4;
	[sflag:s3] =	ssyncpa.u1 $0x0  }
0x7: {  	p0 =	por $0x0, $0x0;
	s4 =	smul.u32 $0xE0, s4;
	[sflag:s5] =	ssyncpa.u1 $0x0  }
0x8: {  	s6 =	sadd.s32 $0x400, s7;
	s7 =	sadd.s32 $0x1C0A00, s7;
	[sflag:s9] =	ssyncpa.u1 $0x0  }
0x9: {  	vm0 =	vmmov $0xffff;
	s9 =	simm.s32 $0x0;
	s8 =	sadd.s32 $0xE0, s4;
	s10 =	smov.u32 s4  }
.LBB2_6:
0xa: {  	p1 =	slt.u32 s9, $0x2;
	s11 =	sadd.s32 $0x10, s10  }
0xb: {  	s13 =	smov.u32 s4;
	s9 =	sadd.s32 $0x1, s9;
	p2 =	slt.s32 s11, s8  }
0xc: {  	s13 =	smov.u32 @p2 s11;
	p2 =	sne.s32 s9, $0x10  }
.Ltmp1:
0xd: {  	_ = 	snop;
	(pc) =	sbr.rel @!p2 .LBB2_7-.Ltmp1, $4  }
0xe: {  	s12 =	simm.s32 @!p1 $0x3  }
0xf: {  	_ =	swait.ge @!p1 [sflag:s12], $0x8000  }
0x10: {  	p0 =	por !p0, !p0;
	[sflag:s12] =	ssyncset.done @!p1 $0x0  }
0x11: {  	s11 =	smov.u32 s10;
	s10 =	smov.u32 s13;
	[sflag:s12] =	ssyncadd.s32 @!p1 $0xFFFF8000  }
.LBB2_1:
0x12: {  	p1 =	sgt.u32 s9, $0xD  }
0x13: {  	s12 =	sxor.u32 @!p1 $0xFFFFFFFF, s9  }
0x14: {  	s31 =	sadd.s32 $0xFFFFFFFF, s9;
	s13 =	sshrl.u32 @!p1 s10, $0x3;
	s12 =	sshll.u32 @!p1 s12, $0x4  }
0x15: {  	s14 =	sand.u32 @!p1 $0x7, s10;
	s13 =	sadd.s32 @!p1 s6, s13;
	s12 =	sand.u32 @!p1 $0x10, s12  }
0x16: {  	[tilespmem:s12], [sflag:$0x2] =	stream.linear.gather @!p1 [hbm4b:s13+s14], $0x10, $0x38;
	[tilespmem:$0x10020] =	vst v63  }
0x17: {  	p1 =	sgt.u32 s31, $0xD  }
.Ltmp2:
0x18: {  	_ = 	snop;
	(pc) =	sbr.rel @p1 .LBB2_6-.Ltmp2, $1  }
0x19: {  	_ =	sdelay $0x3  }
0x1a: {  	_ =	swait.ge [sflag:s5], $0x10  }
0x1b: {  	s12 =	sand.u32 $0x1, s9;
	[sflag:s5] =	ssyncset.done $0x0  }
0x1c: {  	s13 =	sshll.u32 s12, $0x4;
	[sflag:s5] =	ssyncadd.s32 $0xFFFFFFF0  }
0x1d: {  	v0 =	vld.msk [tilespmem:s13+$0x0 ss:$0x1], $0xffff;
	_ =	sdelay $0x4  }
0x1e: {  	vm1 =	vgt.s32 v0, $0x0  }
0x1f: {  	v0 =	vnsel vm1, $0x0, v0  }
0x20: {  	v0 =	vmin.u32 v0, $0x3FFF  }
0x21: {  	v0 =	vshll.u32 v0, $0x8;
	_ =	sdelay $0x1  }
0x22: {  	v1 =	vor.u32 $0x80, v0  }
0x23: {  	s12 =	sshll.u32 s12, $0xF  }
0x24: {  	s30 =	sor.u32 $0x20, s12;
	s13 =	simm.s32 $0x1  }
0x25: {  	[tilespmem:s30], [sflag:$0x1] =	stream.indirect_vreg.gather [hbm:s2], $0x400, v0, vm0, $0x38;
	[tilespmem:$0x10020] =	vst v63  }
0x26: {  	s11 =	sshll.u32 s11, $0x8;
	s12 =	sor.u32 $0x4020, s12;
	s13 =	simm.s32 @!p0 $0x0  }
0x27: {  	[tilespmem:s12], [sflag:$0x1] =	stream.indirect_vreg.gather [hbm:s2], $0x400, v1, vm0, $0x38;
	[tilespmem:$0x10020] =	vst v63  }
0x28: {  	p2 =	por $0x1, $0x1;
	s31 =	sshll.u32 s13, $0x11;
	_ =	swait.ge [sflag:s3], $0x8000  }
0x29: {  	s11 =	sadd.s32 s11, s7;
	s12 =	sshrl.u32 s31, $0x2;
	[sflag:s3] =	ssyncset.done $0x0  }
0x2a: {  	s13 =	simm.s32 $0x0;
	s12 =	sadd.s32 $0x20, s12;
	[sflag:s3] =	ssyncadd.s32 $0xFFFF8000  }
.LBB2_3:
0x2b: {  	s14 =	sshll.u32 s13, $0x10  }
0x2c: {  	s15 =	sshll.u32 s13, $0x7;
	s31 =	sshra.s32 s14, $0x2  }
0x2d: {  	p1 =	por p2, p2;
	s14 =	sadd.s32 s15, s11;
	s13 =	sadd.s32 s31, s12  }
0x2e: {  	s15 =	simm.s32 $0x100;
	s17 =	sadd.s32 $0x0, s14;
	s16 =	sadd.s32 $0x400, s13  }
.LBB2_4:
0x2f: {  	[hbm:s17] =	stream.linear.scatter [tilespmem:s13], [sflag:$0x3], $0x400, $0x38;
	[tilespmem:$0x10020] =	vst v63  }
0x30: {  	s17 =	smov.u32 s15;
	s13 =	smov.u32 s16;
	p2 =	sne.s32 s15, $0xF00  }
.Ltmp3:
0x31: {  	s15 =	sadd.s32 $0x100, s15;
	(pc) =	sbr.rel @p2 .LBB2_4-.Ltmp3, $2  }
0x32: {  	_ =	sdelay $0x2  }
0x33: {  	s16 =	sadd.s32 $0x400, s16;
	s17 =	sadd.s32 s17, s14  }
.Ltmp4:
0x34: {  	(pc) =	sbr.rel @p1 .LBB2_3-.Ltmp4, $4  }
.Ltmp5:
0x35: {  	(pc) =	sbr.rel @!p1 .LBB2_6-.Ltmp5, $4  }
0x36: {  	_ = 	snop  }
0x37: {  	[hbm:s17] =	stream.linear.scatter [tilespmem:s13], [sflag:$0x3], $0x400, $0x38;
	[tilespmem:$0x10020] =	vst v63  }
0x38: {  	s13 =	simm.s32 $0x1;
	p2 =	por $0x0, $0x0  }
0x39: {  	_ = 	snop  }
.LBB2_7:
0x3a: {  	_ =	sfence.sel $0x180000  }
0x3b: {  	s2 =	simm.s32 $0x2;
	[bflag:$0x0] =	sbarrier.arrive $0xFFFF  }
0x3c: {  	s30 =	simm.s32 $0x3;
	[sflag:s2] =	ssyncpa.u1 $0x1  }
0x3d: {  	s31 =	simm.s32 $0x1;
	[sflag:s30] =	ssyncpa.u1 $0x1  }
0x3e: {  	[sflag:s31] =	ssyncpa.u1 $0x1  }
0x3f: {  	p0 =	sne.s32 s1, $0x0;
	_ =	strace $0x9000004D  }
0x40: {  	s0 =	sadd.s32 @!p0 $0x100000, s0;
	[bflag:$0x2] =	sbarrier.arrive $0xFFFF  }
0x41: {  	[sflag:s0] =	ssyncadd.tile.s32 @!p0 $0x1;
	_ =	shalt  }
.Lfunc_end2:
_tile_overlayer_lowered:
.L_overlay_start_2:
0x42: {  	(tag) =	ssettag $0x2  }
0x43: {  	s0 =	rddreg [dreg:$0x0];
	s2 =	stileid.u32  }
0x44: {  	s1 =	rddreg [dreg:$0x1];
	p0 =	sne.s32 s2, $0x0  }
0x45: {  	s3 =	rddreg [dreg:$0x2];
	[bflag:$0x3] =	sbarrier.arrive $0xFFFF;
	s2 =	simm.s32 @!p0 $0x1C01  }
0x46: {  	[timem:s3], [sflag:s2] =	dma.local @!p0 [hbm:s0], s1  }
0x47: {  	s0 =	simm.s32 @!p0 $0x1  }
0x48: {  	_ =	swait.ge @!p0 [sflag:s0], s1  }
0x49: {  	s1 =	ssub.s32 @!p0 $0x0, s1;
	[sflag:s0] =	ssyncset.done @!p0 $0x0  }
0x4a: {  	[sflag:s0] =	ssyncadd.s32 @!p0 s1  }
0x4b: {  	[bflag:$0x3] =	sbarrier.arrive $0xFFFF  }
0x4c: {  	_ =	shalt  }

// kernel: gather_offload_async_start
scs
__scs_entry_jumppad:
0x0: {  	(pc) =	sbr.rel $0x88, $3  }
0x1: {  	(tag) =	ssettag $0x0;
	lr =	simm.s32 $0x1  }
0x2: {  	[smem:$0x3F9C] =	sst lr;
	_ =	strace $0xD0000000  }
0x3: {  	_ = 	snop  }
0x4: {  	_ = 	snop  }
0x5: {  	_ = 	snop  }
0x6: {  	_ = 	snop  }
0x7: {  	_ = 	snop  }
__scs_overlays_trampoline_lowered:
0x8: {  	[smem:$0x3FAB] =	sst s0  }
0x9: {  	[smem:$0x3FAC] =	sst s1  }
0xa: {  	[smem:$0x3FAD] =	sst s2  }
0xb: {  	[smem:$0x3FAE] =	sst s3  }
0xc: {  	[smem:$0x3FAF] =	sst s4  }
0xd: {  	[smem:$0x3FB0] =	sst s5  }
0xe: {  	[smem:$0x3FB1] =	sst s6  }
0xf: {  	[smem:$0x3FB2] =	sst s7  }
0x10: {  	[smem:$0x3FB3] =	sst s8  }
0x11: {  	[smem:$0x3FB4] =	sst s9;
	s0 =	simm.s32 @!p0 $0x0  }
0x12: {  	s1 =	sld [smem:$0x3F9A];
	s0 =	simm.s32 @p0 $0x1  }
0x13: {  	[smem:$0x3FB5] =	sst s0;
	s0 =	simm.s32 @!p1 $0x0  }
0x14: {  	s2 =	sld [smem:$0x3F99];
	s0 =	simm.s32 @p1 $0x1  }
0x15: {  	[smem:$0x3FB6] =	sst s0;
	s0 =	simm.s32 @!p2 $0x0  }
0x16: {  	s3 =	sld [smem:$0x3FDB];
	s0 =	simm.s32 @p2 $0x1  }
0x17: {  	s4 =	simm.s32 $0x1BF5;
	[smem:$0x3FB8] =	sst s0  }
0x18: {  	s0 =	sld [smem:$0x3F9B];
	_ =	swait.ge [sflag:s4], $0x0  }
0x19: {  	s7 =	sld [smem:$0x3F9C]  }
0x1a: {  	s8 =	sadd.s32 $0xFFFFE003, lr  }
0x1b: {  	s9 =	sadd.s32 $0xFFFFFEF7, lr;
	s5 =	simm.s32 $0xFFFFFFFF;
	p2 =	slt.u32 s8, $0xFFFFF086  }
0x1c: {  	p1 =	slt.u32 s9, $0xF7A;
	s5 =	simm.s32 @!p2 $0x0  }
0x1d: {  	s5 =	simm.s32 @p1 $0x1;
	p0 =	seq.s32 s7, s2  }
0x1e: {  	s7 =	smul.u32 @!p0 $0xF7A, s2;
	p2 =	seq.s32 @!p0 s5, $0x0  }
0x1f: {  	s9 =	smul.u32 $0xF7A, s1;
	s8 =	simm.s32 @!p0 $0x1BF5;
	p2 =	por !p2, p0  }
0x20: {  	[sflag:s8] =	ssyncset.s32 @!p0 $0xFFFFF086;
	s6 =	sadd.s32 @!p0 s3, s7;
	s7 =	simm.s32 @!p0 $0x108  }
0x21: {  	s3 =	sadd.s32 s3, s9;
	s6 =	sadd.s32 @!p0 $0x88, s6;
	s7 =	simm.s32 @p2 $0x1082  }
0x22: {  	[simem:s7], [sflag:s8] =	dma.local @!p0 [hbm:s6], $0xF7A  }
0x23: {  	s9 =	sor.u32 $0xD0000000, s2;
	s6 =	simm.s32 $0x108;
	_ =	swait.ge @!p0 [sflag:s8], $0x0  }
0x24: {  	s3 =	sadd.s32 $0x88, s3;
	s6 =	simm.s32 @!p1 $0x1082;
	[sflag:s4] =	ssyncset.s32 $0xFFFFF086  }
0x25: {  	[simem:s6], [sflag:s4] =	dma.local [hbm:s3], $0xF7A  }
0x26: {  	[smem:$0x3F9C] =	sst s1;
	(tag) =	ssettag s2;
	_ =	strace s9  }
0x27: {  	s1 =	sld [smem:$0x3FAC]  }
0x28: {  	s2 =	sld [smem:$0x3FAD]  }
0x29: {  	s4 =	sld [smem:$0x3FAF]  }
0x2a: {  	p0 =	seq.s32 s5, $0x0;
	s5 =	sld [smem:$0x3FB0]  }
0x2b: {  	s6 =	sld [smem:$0x3FB1]  }
0x2c: {  	s7 =	sld [smem:$0x3FB2]  }
0x2d: {  	s3 =	simm.s32 $0x108;
	s8 =	sld [smem:$0x3FB3]  }
0x2e: {  	s3 =	simm.s32 @!p0 $0x1082;
	s9 =	sld [smem:$0x3FB4]  }
0x2f: {  	lr =	sadd.s32 s0, s3;
	s0 =	sld [smem:$0x3FAB]  }
0x30: {  	s3 =	sld [smem:$0x3FAE]  }
0x31: {  	[smem:$0x3FB7] =	sst s10  }
0x32: {  	s10 =	sld [smem:$0x3FB5];
	_ =	sdelay $0x3  }
0x33: {  	p0 =	seq.s32 s10, $0x1;
	s10 =	sld [smem:$0x3FB7];
	_ =	sdelay $0x3  }
0x34: {  	[smem:$0x3FB7] =	sst s10  }
0x35: {  	s10 =	sld [smem:$0x3FB6];
	_ =	sdelay $0x3  }
0x36: {  	p1 =	seq.s32 s10, $0x1;
	s10 =	sld [smem:$0x3FB7];
	_ =	sdelay $0x3  }
0x37: {  	[smem:$0x3FB7] =	sst s10  }
0x38: {  	s10 =	sld [smem:$0x3FB8]  }
0x39: {  	_ = 	snop;
	(pc) =	sbr.ind lr, $3  }
0x3a: {  	_ = 	snop  }
0x3b: {  	_ = 	snop  }
0x3c: {  	p2 =	seq.s32 s10, $0x1;
	s10 =	sld [smem:$0x3FB7]  }
0x3d: {  	_ =	shalt  }
0x3e: {  	_ =	shalt  }
0x3f: {  	_ =	shalt  }
0x40: {  	_ =	shalt  }
0x41: {  	_ =	shalt  }
0x42: {  	_ =	shalt  }
0x43: {  	_ =	shalt  }
0x44: {  	_ =	shalt  }
0x45: {  	_ =	shalt  }
0x46: {  	_ =	shalt  }
0x47: {  	_ =	shalt  }
0x48: {  	_ =	shalt  }
0x49: {  	_ =	shalt  }
0x4a: {  	_ =	shalt  }
0x4b: {  	_ =	shalt  }
0x4c: {  	_ =	shalt  }
0x4d: {  	_ =	shalt  }
0x4e: {  	_ =	shalt  }
0x4f: {  	_ =	shalt  }
0x50: {  	_ =	shalt  }
0x51: {  	_ =	shalt  }
0x52: {  	_ =	shalt  }
0x53: {  	_ =	shalt  }
0x54: {  	_ =	shalt  }
0x55: {  	_ =	shalt  }
0x56: {  	_ =	shalt  }
0x57: {  	_ =	shalt  }
0x58: {  	_ =	shalt  }
0x59: {  	_ =	shalt  }
0x5a: {  	_ =	shalt  }
0x5b: {  	_ =	shalt  }
0x5c: {  	_ =	shalt  }
0x5d: {  	_ =	shalt  }
0x5e: {  	_ =	shalt  }
0x5f: {  	_ =	shalt  }
0x60: {  	_ =	shalt  }
0x61: {  	_ =	shalt  }
0x62: {  	_ =	shalt  }
0x63: {  	_ =	shalt  }
0x64: {  	_ =	shalt  }
0x65: {  	_ =	shalt  }
0x66: {  	_ =	shalt  }
0x67: {  	_ =	shalt  }
0x68: {  	_ =	shalt  }
0x69: {  	_ =	shalt  }
0x6a: {  	_ =	shalt  }
0x6b: {  	_ =	shalt  }
0x6c: {  	_ =	shalt  }
0x6d: {  	_ =	shalt  }
0x6e: {  	_ =	shalt  }
0x6f: {  	_ =	shalt  }
0x70: {  	_ =	shalt  }
0x71: {  	_ =	shalt  }
0x72: {  	_ =	shalt  }
0x73: {  	_ =	shalt  }
0x74: {  	_ =	shalt  }
0x75: {  	_ =	shalt  }
0x76: {  	_ =	shalt  }
0x77: {  	_ =	shalt  }
0x78: {  	_ =	shalt  }
0x79: {  	_ =	shalt  }
0x7a: {  	_ =	shalt  }
0x7b: {  	_ =	shalt  }
0x7c: {  	_ =	shalt  }
0x7d: {  	_ =	shalt  }
0x7e: {  	_ =	shalt  }
0x7f: {  	_ =	shalt  }
0x80: {  	_ =	shalt  }
0x81: {  	_ =	shalt  }
0x82: {  	_ =	shalt  }
0x83: {  	_ =	shalt  }
0x84: {  	_ =	shalt  }
0x85: {  	_ =	shalt  }
0x86: {  	_ =	shalt  }
0x87: {  	_ =	shalt  }
.Lfunc_end0:
.L_simem_size_0:
called_computation_lowered:
.L_overlay_start_0:
0x88: {  	s2 =	sld [smem:$0x3FD9]  }
0x89: {  	s3 =	sld [smem:$0x3FFE];
	_ =	sdelay $0x1  }
0x8a: {  	s1 =	srdreg.scid  }
0x8b: {  	s0 =	sand.u32 $0x1, s1  }
0x8c: {  	s17 =	sshll.u32 s0, $0xA;
	s2 =	sadd.s32 s3, s2  }
0x8d: {  	s2 =	sadd.s32 s2, s17  }
0x8e: {  	[smem:$0x3FC3] =	sst s2  }
0x8f: {  	_ = 	snop  }
0x90: {  	s2 =	sld [smem:$0x3FC6];
	(tm) =	ssettm $0x1  }
0x91: {  	s18 =	sld [smem:$0x3FFB];
	_ =	sdelay $0x3  }
0x92: {  	_ =	strace s18  }
0x93: {  	s3 =	sld [smem:$0x3FFC];
	_ =	sdelay $0x3  }
0x94: {  	_ =	strace s3  }
0x95: {  	s3 =	sld [smem:$0x3FFD];
	_ =	sdelay $0x3  }
0x96: {  	_ =	strace s3  }
0x97: {  	_ =	strace $0x8FFFFFFF  }
0x98: {  	s19 =	sld [smem:$0x3FDB];
	_ =	sdelay $0x1  }
0x99: {  	s4 =	simm.s32 $_scs_section_size  }
0x9a: {  	s5 =	simm.s32 $_size__tile_overlayer_lowered;
	s6 =	simm.s32 $_tile_overlayer_lowered  }
0x9b: {  	s22 =	simm.s32 $0x1BFF;
	s21 =	sshll.u32 s6, $0x1;
	s3 =	sadd.s32 s4, s19  }
0x9c: {  	s7 =	simm.s32 $0x0;
	s20 =	sshll.u32 s5, $0x1;
	s5 =	sadd.s32 s21, s3  }
0x9d: {  	[timem:s7], [sflag:s22] =	dma.local [hbm:s5], s20  }
0x9e: {  	_ =	swait.ge [sflag:s22], s20  }
0x9f: {  	s4 =	ssub.s32 $0x0, s20;
	[sflag:s22] =	ssyncset.done $0x0  }
0xa0: {  	[sflag:s22] =	ssyncadd.s32 s4;
	_ =	sdelay $0x1  }
0xa1: {  	s23 =	simm.s32 $0x1B8B  }
0xa2: {  	_ =	swait.ge [sflag:s23], $0x1  }
0xa3: {  	[sflag:s23] =	ssyncset.done $0x0  }
0xa4: {  	s25 =	simm.s32 $0x1B8E;
	s24 =	sld [smem:$0x3FFE];
	[sflag:s23] =	ssyncadd.s32 $0xFFFFFFFF  }
0xa5: {  	s26 =	simm.s32 $execute0_lowered;
	[smem:$0x3FD2] =	sst s25  }
0xa6: {  	s5 =	sshll.u32 s26, $0x1;
	_ =	strace $0x80000046;
	[dreg:$0x1] =	wrdreg $0xFFFFFFFF  }
0xa7: {  	s28 =	simm.s32 $_size_execute0_lowered;
	s3 =	sadd.s32 s3, s5;
	[dreg:$0x0] =	wrdreg $0x0  }
0xa8: {  	s5 =	sshll.u32 s28, $0x1;
	[dreg:$0x2] =	wrdreg s3  }
0xa9: {  	[dreg:$0x3] =	wrdreg s5  }
0xaa: {  	[dreg:$0x4] =	wrdreg $0xC0  }
0xab: {  	_ =	task [dreg:s7], $0x5FFFF  }
0xac: {  	[dreg:$0x1] =	wrdreg $0xFFFFFFFF  }
0xad: {  	[dreg:$0x0] =	wrdreg $0x60  }
0xae: {  	[dreg:$0x2] =	wrdreg s2  }
0xaf: {  	[dreg:$0x3] =	wrdreg s24  }
0xb0: {  	[dreg:$0x4] =	wrdreg $0x9  }
0xb1: {  	_ =	task.clear_ibuf [dreg:s7], $0x5FFFF;
	_ =	strace $0x90000046  }
0xb2: {  	s29 =	simm.s32 $0x9;
	_ =	strace $0x80000048  }
0xb3: {  	_ =	swait.ge [sflag:s29], $0x1  }
0xb4: {  	[sflag:s29] =	ssyncadd.s32 $0xFFFFFFFF  }
0xb5: {  	_ =	strace $0x90000048  }
0xb6: {  	_ =	sfence  }
0xb7: {  	s30 =	sld [smem:$0x0];
	_ =	sdelay $0x2  }
0xb8: {  	s31 =	sshll.u32 s1, $0xD;
	s1 =	sshrl.u32 s1, $0x2  }
0xb9: {  	s3 =	sand.u32 $0x4000, s31;
	s1 =	sadd.s32 s1, s30  }
0xba: {  	s0 =	sor.u32 s3, s0;
	s1 =	sshll.u32 s1, $0x11  }
0xbb: {  	s0 =	sor.u32 s1, s0  }
0xbc: {  	s0 =	sadd.s32 $0x8F2B, s0  }
0xbd: {  	[sflag:s0] =	ssyncadd.remote.s32 $0x1  }
0xbe: {  	_ =	sfence.sel $0xFFFF  }
0xbf: {  	[dreg:$0x0] =	wrdreg $0xFFFFFFFF;
	(pc) =	sbr.abs _section_cstart, $3  }
0xc0: {  	[dreg:$0x1] =	wrdreg $0xFFFFFFFF  }
0xc1: {  	_ =	task.clear_ibuf [dreg:s7], $0x2FFFF;
	_ =	strace $0x9FFFFFFF  }
0xc2: {  	(tm) =	ssettm $0x7FFFFFFF  }
0xc3: {  	_ =	shalt  }
tec
execute0_lowered:
.L_overlay_start_1:
0x0: {  	(tag) =	ssettag $0x1  }
0x1: {  	s1 =	srdreg.scid;
	s2 =	rddreg [dreg:$0x0]  }
0x2: {  	s0 =	stileid.u32;
	s8 =	rddreg [dreg:$0x1]  }
0x3: {  	s5 =	simm.s32 $0x1;
	s9 =	simm.s32 $0x1;
	s1 =	sshll.u32 s1, $0x5  }
0x4: {  	s10 =	simm.s32 $0x3;
	s3 =	sshll.u32 s0, $0x6;
	s4 =	sand.u32 $0x20, s1  }
0x5: {  	s13 =	simm.s32 $0x0;
	s12 =	simm.s32 $0x0;
	s3 =	sor.u32 s3, s4  }
0x6: {  	s1 =	rddreg [dreg:$0x2];
	_ =	strace $0x80000047;
	s7 =	ssub.s32 $0x700, s3  }
.Ltmp0:
0x7: {  	s4 =	sadd.s32 $0x400, s8;
	s6 =	sand.u32 $0x3E0, s7;
	(pc) =	sbr.rel .LBB2_1-.Ltmp0, $4  }
0x8: {  	[sflag:s5] =	ssyncpa.u1 $0x0;
	s8 =	sadd.s32 $0x600, s8;
	p0 =	sne.s32 s6, $0x0  }
0x9: {  	s7 =	sshrl.u32 s7, $0xA;
	s6 =	simm.s32 $0x2;
	s9 =	simm.s32 @!p0 $0x0  }
0xa: {  	s11 =	smov.u32 s3;
	[sflag:s6] =	ssyncpa.u1 $0x0;
	s7 =	sadd.s32 s9, s7  }
0xb: {  	vm0 =	vmmov $0xffff;
	[sflag:s10] =	ssyncpa.u1 $0x0;
	s10 =	simm.s32 $0x0;
	s9 =	sadd.s32 $0x1, s7  }
.LBB2_5:
0xc: {  	s15 =	sadd.s32 $0x400, s11  }
0xd: {  	p1 =	sgt.s32 s15, $0x6FF  }
0xe: {  	s15 =	smov.u32 @p1 s3;
	p1 =	sne.s32 s12, s9  }
.Ltmp1:
0xf: {  	p0 =	slt.u32 s12, $0x2;
	(pc) =	sbr.rel @!p1 .LBB2_6-.Ltmp1, $4  }
0x10: {  	s14 =	simm.s32 @!p0 $0x3  }
0x11: {  	_ =	swait.ge @!p0 [sflag:s14], $0x20  }
0x12: {  	s16 =	sadd.s32 $0x1, s12;
	s13 =	smov.u32 s11;
	[sflag:s14] =	ssyncset.done @!p0 $0x0  }
0x13: {  	s12 =	smov.u32 s16;
	s11 =	smov.u32 s15;
	[sflag:s14] =	ssyncadd.s32 @!p0 $0xFFFFFFE0  }
.LBB2_1:
0x14: {  	p0 =	sge.u32 s12, s7  }
0x15: {  	s14 =	sxor.u32 @!p0 $0xFFFFFFFF, s12  }
0x16: {  	s31 =	sadd.s32 $0xFFFFFFFF, s12;
	s15 =	sshrl.u32 @!p0 s11, $0x3;
	s14 =	sshll.u32 @!p0 s14, $0x5  }
0x17: {  	s16 =	sand.u32 @!p0 $0x7, s11;
	s15 =	sadd.s32 @!p0 s4, s15;
	s14 =	sand.u32 @!p0 $0x20, s14  }
0x18: {  	[tilespmem:s14], [sflag:$0x2] =	stream.linear.gather @!p0 [hbm4b:s15+s16], $0x20, $0x38;
	[tilespmem:$0x80] =	vst v63  }
0x19: {  	p0 =	sge.u32 s31, s7  }
.Ltmp2:
0x1a: {  	_ = 	snop;
	(pc) =	sbr.rel @p0 .LBB2_5-.Ltmp2, $1  }
0x1b: {  	_ =	sdelay $0x3  }
0x1c: {  	_ =	swait.ge [sflag:s6], $0x20;
	s14 =	sshll.u32 s12, $0x5;
	s16 =	simm.s32 $0x0  }
0x1d: {  	p0 =	por $0x1, $0x1;
	[sflag:s6] =	ssyncset.done $0x0;
	s15 =	sand.u32 $0x20, s14  }
0x1e: {  	[sflag:s6] =	ssyncadd.s32 $0xFFFFFFE0;
	(ifvalue) =	ssetifvalue $0x7FFFFFFF;
	s14 =	sor.u32 $0x40, s15  }
.LBB2_3:
0x1f: {  	s17 =	sadd.s32 s16, s15  }
0x20: {  	v0 =	vld.msk [tilespmem:s17+$0x0 ss:$0x1], $0xffff;
	_ =	sdelay $0x4  }
0x21: {  	v1 =	vshrl.u32 v0, $0x5;
	v2 =	vshll.u32 v0, $0x7  }
0x22: {  	vm1 =	veq.s32 v0, $0x80000000;
	v61 =	vand.u32 $0x7F, v1;
	v62 =	vand.u32 $0xF80, v2  }
0x23: {  	v0 =	vsel vm1, $0xFFFFFFFF, v61;
	v1 =	vsel vm1, $0xFFFFFF80, v62  }
0x24: {  	v63 =	vand.u32 $0xFFFFFC00, v1;
	v3 =	vand.u32 $0xFFFFFC00, v0  }
0x25: {  	v1 =	vand.u32 $0x380, v1;
	v2 =	vadd.s32 v3, v63  }
0x26: {  	v0 =	vand.u32 $0x7F, v0;
	v1 =	vor.u32 v1, v2  }
0x27: {  	p1 =	por p0, p0;
	v0 =	vor.u32 v0, v1  }
.Ltmp3:
0x28: {  	_ = 	snop;
	(pc) =	sbr.rel @p1 .LBB2_3-.Ltmp3, $4  }
0x29: {  	_ = 	snop  }
0x2a: {  	s31 =	sadd.s32 s16, s14  }
0x2b: {  	s16 =	simm.s32 $0x10;
	p0 =	por $0x0, $0x0;
	(ifvalue) =	ssetifvalue $0x7FFFFFFF  }
0x2c: {  	[tilespmem:s31], [sflag:$0x1] =	stream.indirect_vreg.gather [hbm4b:s2+s10], $0x1, v0, vm0, $0x4038;
	[tilespmem:$0x80] =	vst v63  }
.Ltmp4:
0x2d: {  	(pc) =	sbr.rel .LBB2_5-.Ltmp4, $4  }
0x2e: {  	_ =	swait.ge [sflag:s5], $0x20  }
0x2f: {  	s15 =	sshrl.u32 s13, $0x3;
	[sflag:s5] =	ssyncset.done $0x0  }
0x30: {  	s31 =	sand.u32 $0x7, s13;
	s15 =	sadd.s32 s8, s15;
	[sflag:s5] =	ssyncadd.s32 $0xFFFFFFE0  }
0x31: {  	[hbm4b:s15+s31] =	stream.linear.scatter [tilespmem:s14], [sflag:$0x3], $0x20, $0x38;
	[tilespmem:$0x80] =	vst v63  }
.LBB2_6:
0x32: {  	_ =	sfence.sel $0x180000  }
0x33: {  	s2 =	simm.s32 $0x2;
	[bflag:$0x0] =	sbarrier.arrive $0xFFFF  }
0x34: {  	s30 =	simm.s32 $0x3;
	[sflag:s2] =	ssyncpa.u1 $0x1  }
0x35: {  	s31 =	simm.s32 $0x1;
	[sflag:s30] =	ssyncpa.u1 $0x1  }
0x36: {  	[sflag:s31] =	ssyncpa.u1 $0x1  }
0x37: {  	p0 =	sne.s32 s0, $0x0;
	_ =	strace $0x90000047  }
0x38: {  	s0 =	sadd.s32 @!p0 $0x100000, s1;
	[bflag:$0x2] =	sbarrier.arrive $0xFFFF  }
0x39: {  	[sflag:s0] =	ssyncadd.tile.s32 @!p0 $0x1;
	_ =	shalt  }
.Lfunc_end2:
_tile_overlayer_lowered:
.L_overlay_start_2:
0x3a: {  	(tag) =	ssettag $0x2  }
0x3b: {  	s0 =	rddreg [dreg:$0x0];
	s2 =	stileid.u32  }
0x3c: {  	s1 =	rddreg [dreg:$0x1];
	p0 =	sne.s32 s2, $0x0  }
0x3d: {  	s3 =	rddreg [dreg:$0x2];
	[bflag:$0x3] =	sbarrier.arrive $0xFFFF;
	s2 =	simm.s32 @!p0 $0x1C01  }
0x3e: {  	[timem:s3], [sflag:s2] =	dma.local @!p0 [hbm:s0], s1  }
0x3f: {  	s0 =	simm.s32 @!p0 $0x1  }
0x40: {  	_ =	swait.ge @!p0 [sflag:s0], s1  }
0x41: {  	s1 =	ssub.s32 @!p0 $0x0, s1;
	[sflag:s0] =	ssyncset.done @!p0 $0x0  }
0x42: {  	[sflag:s0] =	ssyncadd.s32 @!p0 s1  }
0x43: {  	[bflag:$0x3] =	sbarrier.arrive $0xFFFF  }
0x44: {  	_ =	shalt  }

</sc_bundles>
